<compile_context>
chip_gen: v7x
topology: tpu7x:2x2x1
jax: 0.10.2.dev20260603
libtpu: 0.0.44.dev20260713+nightly
codegen_flags: <defaults>
</compile_context>

<pallas_src>
import functools

import jax
import jax.numpy as jnp
from jax import lax
from jax.experimental import pallas as pl
from jax.experimental.pallas import tpu as pltpu
from jax.experimental.pallas import tpu_sc as plsc

B = 16384
D = 128
NC = 2
NS = 16
NW = NC * NS
BPW = B // NW
CH = 128
K = BPW // CH
NBUF = 3


def _body(utab, itab, uidx_hbm, iidx_hbm, out, uidx, iidx,
          u0, u1, u2, i0, i1, i2, *sems):
    wid = lax.axis_index("s") * NC + lax.axis_index("c")
    base = wid * BPW
    ub, ib = (u0, u1, u2), (i0, i1, i2)
    sgu, sgi, swu, swi = (sems[0:3], sems[3:6], sems[6:9], sems[9:12])
    six = sems[12]
    cpu = pltpu.async_copy(uidx_hbm.at[pl.ds(base, BPW)], uidx, six)
    cpi = pltpu.async_copy(iidx_hbm.at[pl.ds(base, BPW)], iidx, six)
    cpu.wait()
    cpi.wait()

    def gather(j, p):
        sl = pl.ds(j * CH, CH)
        return (pltpu.async_copy(utab.at[uidx.at[sl]], ub[p], sgu[p]),
                pltpu.async_copy(itab.at[iidx.at[sl]], ib[p], sgi[p]))

    gu = [None] * K
    gi = [None] * K
    wu = [None] * K
    wi = [None] * K
    for j in range(min(NBUF, K)):
        gu[j], gi[j] = gather(j, j % NBUF)
    for j in range(K):
        p = j % NBUF
        rows = pl.ds(base + j * CH, CH)
        gu[j].wait()
        wu[j] = pltpu.async_copy(ub[p], out.at[rows, pl.ds(0, D)], swu[p])
        gi[j].wait()
        wi[j] = pltpu.async_copy(ib[p], out.at[rows, pl.ds(D, D)], swi[p])
        nxt = j + NBUF
        if nxt < K:
            wu[j].wait()
            wi[j].wait()
            gu[nxt], gi[nxt] = gather(nxt, p)
    for j in range(max(0, K - NBUF), K):
        wu[j].wait()
        wi[j].wait()


@jax.jit
def _gather_concat(user_table, item_table, users, items):
    f = functools.partial(
        pl.kernel,
        mesh=plsc.VectorSubcoreMesh(core_axis_name="c", subcore_axis_name="s"),
        out_type=jax.ShapeDtypeStruct((B, 2 * D), jnp.float32),
        scratch_types=(
            [pltpu.VMEM((BPW,), jnp.int32)] * 2
            + [pltpu.VMEM((CH, D), jnp.float32)] * (2 * NBUF)
            + [pltpu.SemaphoreType.DMA] * (4 * NBUF + 1)
        ),
    )(_body)
    return f(user_table, item_table, users, items)


def kernel(user_table, item_table, users, items):
    return _gather_concat(user_table, item_table,
                          users.astype(jnp.int32), items.astype(jnp.int32))

# --- scband reference (transcript-rebuilt; emitter-appended) ---
"""Pipeline reference for scband-based-model-91250875171358 (READ-ONLY COPY).

The authoritative reference and input builder live on the scoring server;
editing this copy changes nothing except your own understanding.
"""

import jax, jax.numpy as jnp
import numpy as np

NUM_USER = 100000
NUM_ITEM = 100000
DIM = 128
BATCH = 16384

def setup_inputs(seed: int = 0) -> dict:
    key = jax.random.key(seed)
    k1, k2, k3, k4 = jax.random.split(key, 4)
    users = jax.random.randint(k1, (BATCH,), 0, NUM_USER, dtype=jnp.int64 if jax.config.jax_enable_x64 else jnp.int32)
    items = jax.random.randint(k2, (BATCH,), 0, NUM_ITEM, dtype=jnp.int64 if jax.config.jax_enable_x64 else jnp.int32)
    # Learned parameters: embedding tables (torch.nn.Embedding default init ~ N(0,1))
    user_table = jax.random.normal(k3, (NUM_USER, DIM), dtype=jnp.float32)
    item_table = jax.random.normal(k4, (NUM_ITEM, DIM), dtype=jnp.float32)
    return {"user_table": user_table, "item_table": item_table, "users": users, "items": items}

def reference(user_table, item_table, users, items):
    # Faithful translation of BasedModel's concrete functionality:
    # user_embedding(users) and item_embedding(items) lookups.
    u_emb = jnp.take(user_table, users, axis=0)   # [B, dim]
    i_emb = jnp.take(item_table, items, axis=0)   # [B, dim]
    # Return both lookups concatenated along feature dim: [B, 2*dim]
    return jnp.concatenate([u_emb, i_emb], axis=-1)

if __name__ == "__main__":
    import jax
    _d = setup_inputs()
    print(jax.jit(kernel)(*tuple(_d.values())))

</pallas_src>

<mosaic_0001>
#map = affine_map<(d0, d1) -> (0, 0)>
#map1 = affine_map<(d0, d1) -> (0)>
module attributes {stable_mosaic.version = 14 : i64} {
  func.func @_body(%arg0: i32, %arg1: i32, %arg2: memref<100000x128xf32, #tpu.memory_space<hbm>>, %arg3: memref<100000x128xf32, #tpu.memory_space<hbm>>, %arg4: memref<16384xi32, #tpu.memory_space<hbm>>, %arg5: memref<16384xi32, #tpu.memory_space<hbm>>, %arg6: memref<16384x256xf32, #tpu.memory_space<hbm>>, %arg7: memref<512xi32, #tpu.memory_space<vmem>>, %arg8: memref<512xi32, #tpu.memory_space<vmem>>, %arg9: memref<128x128xf32, #tpu.memory_space<vmem>>, %arg10: memref<128x128xf32, #tpu.memory_space<vmem>>, %arg11: memref<128x128xf32, #tpu.memory_space<vmem>>, %arg12: memref<128x128xf32, #tpu.memory_space<vmem>>, %arg13: memref<128x128xf32, #tpu.memory_space<vmem>>, %arg14: memref<128x128xf32, #tpu.memory_space<vmem>>, %arg15: memref<!tpu.dma_semaphore, #tpu.memory_space<semaphore_mem>>, %arg16: memref<!tpu.dma_semaphore, #tpu.memory_space<semaphore_mem>>, %arg17: memref<!tpu.dma_semaphore, #tpu.memory_space<semaphore_mem>>, %arg18: memref<!tpu.dma_semaphore, #tpu.memory_space<semaphore_mem>>, %arg19: memref<!tpu.dma_semaphore, #tpu.memory_space<semaphore_mem>>, %arg20: memref<!tpu.dma_semaphore, #tpu.memory_space<semaphore_mem>>, %arg21: memref<!tpu.dma_semaphore, #tpu.memory_space<semaphore_mem>>, %arg22: memref<!tpu.dma_semaphore, #tpu.memory_space<semaphore_mem>>, %arg23: memref<!tpu.dma_semaphore, #tpu.memory_space<semaphore_mem>>, %arg24: memref<!tpu.dma_semaphore, #tpu.memory_space<semaphore_mem>>, %arg25: memref<!tpu.dma_semaphore, #tpu.memory_space<semaphore_mem>>, %arg26: memref<!tpu.dma_semaphore, #tpu.memory_space<semaphore_mem>>, %arg27: memref<!tpu.dma_semaphore, #tpu.memory_space<semaphore_mem>>) attributes {dimension_semantics = [#tpu.dimension_semantics<core_parallel>, #tpu.dimension_semantics<subcore_parallel>], iteration_bounds = array<i64: 2, 16>, scalar_prefetch = 0 : i64, scratch_operands = 21 : i64, tpu.core_type = #tpu.core_type<sc_vector_subcore>, window_params = [{transform_indices = #map}, {transform_indices = #map}, {transform_indices = #map1}, {transform_indices = #map1}, {transform_indices = #map}]} {
    %mul3A = arith.constant 2 : i32
    %mul3A_0 = arith.muli %arg1, %mul3A : i32
    %add3A = arith.addi %mul3A_0, %arg0 : i32
    %mul3A_1 = arith.constant 512 : i32
    %mul3A_2 = arith.muli %add3A, %mul3A_1 : i32
    %dma_start3A = tpu.memref_slice %arg4[%mul3A_2] : memref<16384xi32, #tpu.memory_space<hbm>> -> memref<512xi32, #tpu.memory_space<hbm>>
    %dma_start3A_3 = tpu.memref_slice %arg4[%mul3A_2] : memref<16384xi32, #tpu.memory_space<hbm>> -> memref<512xi32, #tpu.memory_space<hbm>>
    tpu.enqueue_dma source(%dma_start3A_3 : memref<512xi32, #tpu.memory_space<hbm>>) target(%arg7 : memref<512xi32, #tpu.memory_space<vmem>>) target_semaphore(%arg27 : memref<!tpu.dma_semaphore, #tpu.memory_space<semaphore_mem>>)
    %dma_start3A_4 = tpu.memref_slice %arg5[%mul3A_2] : memref<16384xi32, #tpu.memory_space<hbm>> -> memref<512xi32, #tpu.memory_space<hbm>>
    %dma_start3A_5 = tpu.memref_slice %arg5[%mul3A_2] : memref<16384xi32, #tpu.memory_space<hbm>> -> memref<512xi32, #tpu.memory_space<hbm>>
    tpu.enqueue_dma source(%dma_start3A_5 : memref<512xi32, #tpu.memory_space<hbm>>) target(%arg8 : memref<512xi32, #tpu.memory_space<vmem>>) target_semaphore(%arg27 : memref<!tpu.dma_semaphore, #tpu.memory_space<semaphore_mem>>)
    %dma_wait3A = tpu.memref_slice %arg4[%mul3A_2] : memref<16384xi32, #tpu.memory_space<hbm>> -> memref<512xi32, #tpu.memory_space<hbm>>
    %dma_wait3A_6 = tpu.memref_slice %arg4[%mul3A_2] : memref<16384xi32, #tpu.memory_space<hbm>> -> memref<512xi32, #tpu.memory_space<hbm>>
    tpu.wait_dma2 semaphore(%arg27 : memref<!tpu.dma_semaphore, #tpu.memory_space<semaphore_mem>>) src(%dma_wait3A_6 : memref<512xi32, #tpu.memory_space<hbm>>) dst(%arg7 : memref<512xi32, #tpu.memory_space<vmem>>)
    %dma_wait3A_7 = tpu.memref_slice %arg5[%mul3A_2] : memref<16384xi32, #tpu.memory_space<hbm>> -> memref<512xi32, #tpu.memory_space<hbm>>
    %dma_wait3A_8 = tpu.memref_slice %arg5[%mul3A_2] : memref<16384xi32, #tpu.memory_space<hbm>> -> memref<512xi32, #tpu.memory_space<hbm>>
    tpu.wait_dma2 semaphore(%arg27 : memref<!tpu.dma_semaphore, #tpu.memory_space<semaphore_mem>>) src(%dma_wait3A_8 : memref<512xi32, #tpu.memory_space<hbm>>) dst(%arg8 : memref<512xi32, #tpu.memory_space<vmem>>)
    %dma_start3A_9 = arith.constant 0 : i32
    %dma_start3A_10 = tpu.memref_slice %arg7[%dma_start3A_9] : memref<512xi32, #tpu.memory_space<vmem>> -> memref<128xi32, #tpu.memory_space<vmem>>
    %dma_start3A_11 = arith.constant 0 : i32
    %dma_start3A_12 = arith.constant 0 : i32
    %dma_start3A_13 = tpu.memref_slice %arg2[%dma_start3A_11, %dma_start3A_12] : memref<100000x128xf32, #tpu.memory_space<hbm>> -> memref<100000x128xf32, #tpu.memory_space<hbm>>
    tpu.enqueue_indirect_dma source(%dma_start3A_13 : memref<100000x128xf32, #tpu.memory_space<hbm>>) target(%arg9 : memref<128x128xf32, #tpu.memory_space<vmem>>) offsets(%dma_start3A_10 : memref<128xi32, #tpu.memory_space<vmem>>) semaphore(%arg15 : memref<!tpu.dma_semaphore, #tpu.memory_space<semaphore_mem>>)
    %dma_start3A_14 = arith.constant 0 : i32
    %dma_start3A_15 = tpu.memref_slice %arg8[%dma_start3A_14] : memref<512xi32, #tpu.memory_space<vmem>> -> memref<128xi32, #tpu.memory_space<vmem>>
    %dma_start3A_16 = arith.constant 0 : i32
    %dma_start3A_17 = arith.constant 0 : i32
    %dma_start3A_18 = tpu.memref_slice %arg3[%dma_start3A_16, %dma_start3A_17] : memref<100000x128xf32, #tpu.memory_space<hbm>> -> memref<100000x128xf32, #tpu.memory_space<hbm>>
    tpu.enqueue_indirect_dma source(%dma_start3A_18 : memref<100000x128xf32, #tpu.memory_space<hbm>>) target(%arg12 : memref<128x128xf32, #tpu.memory_space<vmem>>) offsets(%dma_start3A_15 : memref<128xi32, #tpu.memory_space<vmem>>) semaphore(%arg18 : memref<!tpu.dma_semaphore, #tpu.memory_space<semaphore_mem>>)
    %dma_start3A_19 = arith.constant 128 : i32
    %dma_start3A_20 = tpu.memref_slice %arg7[%dma_start3A_19] : memref<512xi32, #tpu.memory_space<vmem>> -> memref<128xi32, #tpu.memory_space<vmem>>
    %dma_start3A_21 = arith.constant 0 : i32
    %dma_start3A_22 = arith.constant 0 : i32
    %dma_start3A_23 = tpu.memref_slice %arg2[%dma_start3A_21, %dma_start3A_22] : memref<100000x128xf32, #tpu.memory_space<hbm>> -> memref<100000x128xf32, #tpu.memory_space<hbm>>
    tpu.enqueue_indirect_dma source(%dma_start3A_23 : memref<100000x128xf32, #tpu.memory_space<hbm>>) target(%arg10 : memref<128x128xf32, #tpu.memory_space<vmem>>) offsets(%dma_start3A_20 : memref<128xi32, #tpu.memory_space<vmem>>) semaphore(%arg16 : memref<!tpu.dma_semaphore, #tpu.memory_space<semaphore_mem>>)
    %dma_start3A_24 = arith.constant 128 : i32
    %dma_start3A_25 = tpu.memref_slice %arg8[%dma_start3A_24] : memref<512xi32, #tpu.memory_space<vmem>> -> memref<128xi32, #tpu.memory_space<vmem>>
    %dma_start3A_26 = arith.constant 0 : i32
    %dma_start3A_27 = arith.constant 0 : i32
    %dma_start3A_28 = tpu.memref_slice %arg3[%dma_start3A_26, %dma_start3A_27] : memref<100000x128xf32, #tpu.memory_space<hbm>> -> memref<100000x128xf32, #tpu.memory_space<hbm>>
    tpu.enqueue_indirect_dma source(%dma_start3A_28 : memref<100000x128xf32, #tpu.memory_space<hbm>>) target(%arg13 : memref<128x128xf32, #tpu.memory_space<vmem>>) offsets(%dma_start3A_25 : memref<128xi32, #tpu.memory_space<vmem>>) semaphore(%arg19 : memref<!tpu.dma_semaphore, #tpu.memory_space<semaphore_mem>>)
    %dma_start3A_29 = arith.constant 256 : i32
    %dma_start3A_30 = tpu.memref_slice %arg7[%dma_start3A_29] : memref<512xi32, #tpu.memory_space<vmem>> -> memref<128xi32, #tpu.memory_space<vmem>>
    %dma_start3A_31 = arith.constant 0 : i32
    %dma_start3A_32 = arith.constant 0 : i32
    %dma_start3A_33 = tpu.memref_slice %arg2[%dma_start3A_31, %dma_start3A_32] : memref<100000x128xf32, #tpu.memory_space<hbm>> -> memref<100000x128xf32, #tpu.memory_space<hbm>>
    tpu.enqueue_indirect_dma source(%dma_start3A_33 : memref<100000x128xf32, #tpu.memory_space<hbm>>) target(%arg11 : memref<128x128xf32, #tpu.memory_space<vmem>>) offsets(%dma_start3A_30 : memref<128xi32, #tpu.memory_space<vmem>>) semaphore(%arg17 : memref<!tpu.dma_semaphore, #tpu.memory_space<semaphore_mem>>)
    %dma_start3A_34 = arith.constant 256 : i32
    %dma_start3A_35 = tpu.memref_slice %arg8[%dma_start3A_34] : memref<512xi32, #tpu.memory_space<vmem>> -> memref<128xi32, #tpu.memory_space<vmem>>
    %dma_start3A_36 = arith.constant 0 : i32
    %dma_start3A_37 = arith.constant 0 : i32
    %dma_start3A_38 = tpu.memref_slice %arg3[%dma_start3A_36, %dma_start3A_37] : memref<100000x128xf32, #tpu.memory_space<hbm>> -> memref<100000x128xf32, #tpu.memory_space<hbm>>
    tpu.enqueue_indirect_dma source(%dma_start3A_38 : memref<100000x128xf32, #tpu.memory_space<hbm>>) target(%arg14 : memref<128x128xf32, #tpu.memory_space<vmem>>) offsets(%dma_start3A_35 : memref<128xi32, #tpu.memory_space<vmem>>) semaphore(%arg20 : memref<!tpu.dma_semaphore, #tpu.memory_space<semaphore_mem>>)
    %add3A_39 = arith.constant 0 : i32
    %add3A_40 = arith.addi %mul3A_2, %add3A_39 : i32
    %dma_wait3A_41 = arith.constant 0 : i32
    %dma_wait3A_42 = tpu.memref_slice %arg7[%dma_wait3A_41] : memref<512xi32, #tpu.memory_space<vmem>> -> memref<128xi32, #tpu.memory_space<vmem>>
    %dma_wait3A_43 = arith.constant 0 : i32
    %dma_wait3A_44 = arith.constant 0 : i32
    %dma_wait3A_45 = tpu.memref_slice %arg2[%dma_wait3A_43, %dma_wait3A_44] : memref<100000x128xf32, #tpu.memory_space<hbm>> -> memref<100000x128xf32, #tpu.memory_space<hbm>>
    tpu.wait_indirect_dma semaphore(%arg15 : memref<!tpu.dma_semaphore, #tpu.memory_space<semaphore_mem>>) src(%dma_wait3A_45 : memref<100000x128xf32, #tpu.memory_space<hbm>>) dst(%arg9 : memref<128x128xf32, #tpu.memory_space<vmem>>)
    %dma_start3A_46 = arith.constant 0 : i32
    %dma_start3A_47 = tpu.memref_slice %arg6[%add3A_40, %dma_start3A_46] : memref<16384x256xf32, #tpu.memory_space<hbm>> -> memref<128x128xf32, #tpu.memory_space<hbm>>
    %dma_start3A_48 = arith.constant 0 : i32
    %dma_start3A_49 = tpu.memref_slice %arg6[%add3A_40, %dma_start3A_48] : memref<16384x256xf32, #tpu.memory_space<hbm>> -> memref<128x128xf32, #tpu.memory_space<hbm>>
    tpu.enqueue_dma source(%arg9 : memref<128x128xf32, #tpu.memory_space<vmem>>) target(%dma_start3A_49 : memref<128x128xf32, #tpu.memory_space<hbm>>) target_semaphore(%arg21 : memref<!tpu.dma_semaphore, #tpu.memory_space<semaphore_mem>>)
    %dma_wait3A_50 = arith.constant 0 : i32
    %dma_wait3A_51 = tpu.memref_slice %arg8[%dma_wait3A_50] : memref<512xi32, #tpu.memory_space<vmem>> -> memref<128xi32, #tpu.memory_space<vmem>>
    %dma_wait3A_52 = arith.constant 0 : i32
    %dma_wait3A_53 = arith.constant 0 : i32
    %dma_wait3A_54 = tpu.memref_slice %arg3[%dma_wait3A_52, %dma_wait3A_53] : memref<100000x128xf32, #tpu.memory_space<hbm>> -> memref<100000x128xf32, #tpu.memory_space<hbm>>
    tpu.wait_indirect_dma semaphore(%arg18 : memref<!tpu.dma_semaphore, #tpu.memory_space<semaphore_mem>>) src(%dma_wait3A_54 : memref<100000x128xf32, #tpu.memory_space<hbm>>) dst(%arg12 : memref<128x128xf32, #tpu.memory_space<vmem>>)
    %dma_start3A_55 = arith.constant 128 : i32
    %dma_start3A_56 = tpu.memref_slice %arg6[%add3A_40, %dma_start3A_55] : memref<16384x256xf32, #tpu.memory_space<hbm>> -> memref<128x128xf32, #tpu.memory_space<hbm>>
    %dma_start3A_57 = arith.constant 128 : i32
    %dma_start3A_58 = tpu.memref_slice %arg6[%add3A_40, %dma_start3A_57] : memref<16384x256xf32, #tpu.memory_space<hbm>> -> memref<128x128xf32, #tpu.memory_space<hbm>>
    tpu.enqueue_dma source(%arg12 : memref<128x128xf32, #tpu.memory_space<vmem>>) target(%dma_start3A_58 : memref<128x128xf32, #tpu.memory_space<hbm>>) target_semaphore(%arg24 : memref<!tpu.dma_semaphore, #tpu.memory_space<semaphore_mem>>)
    %dma_wait3A_59 = arith.constant 0 : i32
    %dma_wait3A_60 = tpu.memref_slice %arg6[%add3A_40, %dma_wait3A_59] : memref<16384x256xf32, #tpu.memory_space<hbm>> -> memref<128x128xf32, #tpu.memory_space<hbm>>
    %dma_wait3A_61 = arith.constant 0 : i32
    %dma_wait3A_62 = tpu.memref_slice %arg6[%add3A_40, %dma_wait3A_61] : memref<16384x256xf32, #tpu.memory_space<hbm>> -> memref<128x128xf32, #tpu.memory_space<hbm>>
    tpu.wait_dma2 semaphore(%arg21 : memref<!tpu.dma_semaphore, #tpu.memory_space<semaphore_mem>>) src(%arg9 : memref<128x128xf32, #tpu.memory_space<vmem>>) dst(%dma_wait3A_62 : memref<128x128xf32, #tpu.memory_space<hbm>>)
    %dma_wait3A_63 = arith.constant 128 : i32
    %dma_wait3A_64 = tpu.memref_slice %arg6[%add3A_40, %dma_wait3A_63] : memref<16384x256xf32, #tpu.memory_space<hbm>> -> memref<128x128xf32, #tpu.memory_space<hbm>>
    %dma_wait3A_65 = arith.constant 128 : i32
    %dma_wait3A_66 = tpu.memref_slice %arg6[%add3A_40, %dma_wait3A_65] : memref<16384x256xf32, #tpu.memory_space<hbm>> -> memref<128x128xf32, #tpu.memory_space<hbm>>
    tpu.wait_dma2 semaphore(%arg24 : memref<!tpu.dma_semaphore, #tpu.memory_space<semaphore_mem>>) src(%arg12 : memref<128x128xf32, #tpu.memory_space<vmem>>) dst(%dma_wait3A_66 : memref<128x128xf32, #tpu.memory_space<hbm>>)
    %dma_start3A_67 = arith.constant 384 : i32
    %dma_start3A_68 = tpu.memref_slice %arg7[%dma_start3A_67] : memref<512xi32, #tpu.memory_space<vmem>> -> memref<128xi32, #tpu.memory_space<vmem>>
    %dma_start3A_69 = arith.constant 0 : i32
    %dma_start3A_70 = arith.constant 0 : i32
    %dma_start3A_71 = tpu.memref_slice %arg2[%dma_start3A_69, %dma_start3A_70] : memref<100000x128xf32, #tpu.memory_space<hbm>> -> memref<100000x128xf32, #tpu.memory_space<hbm>>
    tpu.enqueue_indirect_dma source(%dma_start3A_71 : memref<100000x128xf32, #tpu.memory_space<hbm>>) target(%arg9 : memref<128x128xf32, #tpu.memory_space<vmem>>) offsets(%dma_start3A_68 : memref<128xi32, #tpu.memory_space<vmem>>) semaphore(%arg15 : memref<!tpu.dma_semaphore, #tpu.memory_space<semaphore_mem>>)
    %dma_start3A_72 = arith.constant 384 : i32
    %dma_start3A_73 = tpu.memref_slice %arg8[%dma_start3A_72] : memref<512xi32, #tpu.memory_space<vmem>> -> memref<128xi32, #tpu.memory_space<vmem>>
    %dma_start3A_74 = arith.constant 0 : i32
    %dma_start3A_75 = arith.constant 0 : i32
    %dma_start3A_76 = tpu.memref_slice %arg3[%dma_start3A_74, %dma_start3A_75] : memref<100000x128xf32, #tpu.memory_space<hbm>> -> memref<100000x128xf32, #tpu.memory_space<hbm>>
    tpu.enqueue_indirect_dma source(%dma_start3A_76 : memref<100000x128xf32, #tpu.memory_space<hbm>>) target(%arg12 : memref<128x128xf32, #tpu.memory_space<vmem>>) offsets(%dma_start3A_73 : memref<128xi32, #tpu.memory_space<vmem>>) semaphore(%arg18 : memref<!tpu.dma_semaphore, #tpu.memory_space<semaphore_mem>>)
    %add3A_77 = arith.constant 128 : i32
    %add3A_78 = arith.addi %mul3A_2, %add3A_77 : i32
    %dma_wait3A_79 = arith.constant 128 : i32
    %dma_wait3A_80 = tpu.memref_slice %arg7[%dma_wait3A_79] : memref<512xi32, #tpu.memory_space<vmem>> -> memref<128xi32, #tpu.memory_space<vmem>>
    %dma_wait3A_81 = arith.constant 0 : i32
    %dma_wait3A_82 = arith.constant 0 : i32
    %dma_wait3A_83 = tpu.memref_slice %arg2[%dma_wait3A_81, %dma_wait3A_82] : memref<100000x128xf32, #tpu.memory_space<hbm>> -> memref<100000x128xf32, #tpu.memory_space<hbm>>
    tpu.wait_indirect_dma semaphore(%arg16 : memref<!tpu.dma_semaphore, #tpu.memory_space<semaphore_mem>>) src(%dma_wait3A_83 : memref<100000x128xf32, #tpu.memory_space<hbm>>) dst(%arg10 : memref<128x128xf32, #tpu.memory_space<vmem>>)
    %dma_start3A_84 = arith.constant 0 : i32
    %dma_start3A_85 = tpu.memref_slice %arg6[%add3A_78, %dma_start3A_84] : memref<16384x256xf32, #tpu.memory_space<hbm>> -> memref<128x128xf32, #tpu.memory_space<hbm>>
    %dma_start3A_86 = arith.constant 0 : i32
    %dma_start3A_87 = tpu.memref_slice %arg6[%add3A_78, %dma_start3A_86] : memref<16384x256xf32, #tpu.memory_space<hbm>> -> memref<128x128xf32, #tpu.memory_space<hbm>>
    tpu.enqueue_dma source(%arg10 : memref<128x128xf32, #tpu.memory_space<vmem>>) target(%dma_start3A_87 : memref<128x128xf32, #tpu.memory_space<hbm>>) target_semaphore(%arg22 : memref<!tpu.dma_semaphore, #tpu.memory_space<semaphore_mem>>)
    %dma_wait3A_88 = arith.constant 128 : i32
    %dma_wait3A_89 = tpu.memref_slice %arg8[%dma_wait3A_88] : memref<512xi32, #tpu.memory_space<vmem>> -> memref<128xi32, #tpu.memory_space<vmem>>
    %dma_wait3A_90 = arith.constant 0 : i32
    %dma_wait3A_91 = arith.constant 0 : i32
    %dma_wait3A_92 = tpu.memref_slice %arg3[%dma_wait3A_90, %dma_wait3A_91] : memref<100000x128xf32, #tpu.memory_space<hbm>> -> memref<100000x128xf32, #tpu.memory_space<hbm>>
    tpu.wait_indirect_dma semaphore(%arg19 : memref<!tpu.dma_semaphore, #tpu.memory_space<semaphore_mem>>) src(%dma_wait3A_92 : memref<100000x128xf32, #tpu.memory_space<hbm>>) dst(%arg13 : memref<128x128xf32, #tpu.memory_space<vmem>>)
    %dma_start3A_93 = arith.constant 128 : i32
    %dma_start3A_94 = tpu.memref_slice %arg6[%add3A_78, %dma_start3A_93] : memref<16384x256xf32, #tpu.memory_space<hbm>> -> memref<128x128xf32, #tpu.memory_space<hbm>>
    %dma_start3A_95 = arith.constant 128 : i32
    %dma_start3A_96 = tpu.memref_slice %arg6[%add3A_78, %dma_start3A_95] : memref<16384x256xf32, #tpu.memory_space<hbm>> -> memref<128x128xf32, #tpu.memory_space<hbm>>
    tpu.enqueue_dma source(%arg13 : memref<128x128xf32, #tpu.memory_space<vmem>>) target(%dma_start3A_96 : memref<128x128xf32, #tpu.memory_space<hbm>>) target_semaphore(%arg25 : memref<!tpu.dma_semaphore, #tpu.memory_space<semaphore_mem>>)
    %add3A_97 = arith.constant 256 : i32
    %add3A_98 = arith.addi %mul3A_2, %add3A_97 : i32
    %dma_wait3A_99 = arith.constant 256 : i32
    %dma_wait3A_100 = tpu.memref_slice %arg7[%dma_wait3A_99] : memref<512xi32, #tpu.memory_space<vmem>> -> memref<128xi32, #tpu.memory_space<vmem>>
    %dma_wait3A_101 = arith.constant 0 : i32
    %dma_wait3A_102 = arith.constant 0 : i32
    %dma_wait3A_103 = tpu.memref_slice %arg2[%dma_wait3A_101, %dma_wait3A_102] : memref<100000x128xf32, #tpu.memory_space<hbm>> -> memref<100000x128xf32, #tpu.memory_space<hbm>>
    tpu.wait_indirect_dma semaphore(%arg17 : memref<!tpu.dma_semaphore, #tpu.memory_space<semaphore_mem>>) src(%dma_wait3A_103 : memref<100000x128xf32, #tpu.memory_space<hbm>>) dst(%arg11 : memref<128x128xf32, #tpu.memory_space<vmem>>)
    %dma_start3A_104 = arith.constant 0 : i32
    %dma_start3A_105 = tpu.memref_slice %arg6[%add3A_98, %dma_start3A_104] : memref<16384x256xf32, #tpu.memory_space<hbm>> -> memref<128x128xf32, #tpu.memory_space<hbm>>
    %dma_start3A_106 = arith.constant 0 : i32
    %dma_start3A_107 = tpu.memref_slice %arg6[%add3A_98, %dma_start3A_106] : memref<16384x256xf32, #tpu.memory_space<hbm>> -> memref<128x128xf32, #tpu.memory_space<hbm>>
    tpu.enqueue_dma source(%arg11 : memref<128x128xf32, #tpu.memory_space<vmem>>) target(%dma_start3A_107 : memref<128x128xf32, #tpu.memory_space<hbm>>) target_semaphore(%arg23 : memref<!tpu.dma_semaphore, #tpu.memory_space<semaphore_mem>>)
    %dma_wait3A_108 = arith.constant 256 : i32
    %dma_wait3A_109 = tpu.memref_slice %arg8[%dma_wait3A_108] : memref<512xi32, #tpu.memory_space<vmem>> -> memref<128xi32, #tpu.memory_space<vmem>>
    %dma_wait3A_110 = arith.constant 0 : i32
    %dma_wait3A_111 = arith.constant 0 : i32
    %dma_wait3A_112 = tpu.memref_slice %arg3[%dma_wait3A_110, %dma_wait3A_111] : memref<100000x128xf32, #tpu.memory_space<hbm>> -> memref<100000x128xf32, #tpu.memory_space<hbm>>
    tpu.wait_indirect_dma semaphore(%arg20 : memref<!tpu.dma_semaphore, #tpu.memory_space<semaphore_mem>>) src(%dma_wait3A_112 : memref<100000x128xf32, #tpu.memory_space<hbm>>) dst(%arg14 : memref<128x128xf32, #tpu.memory_space<vmem>>)
    %dma_start3A_113 = arith.constant 128 : i32
    %dma_start3A_114 = tpu.memref_slice %arg6[%add3A_98, %dma_start3A_113] : memref<16384x256xf32, #tpu.memory_space<hbm>> -> memref<128x128xf32, #tpu.memory_space<hbm>>
    %dma_start3A_115 = arith.constant 128 : i32
    %dma_start3A_116 = tpu.memref_slice %arg6[%add3A_98, %dma_start3A_115] : memref<16384x256xf32, #tpu.memory_space<hbm>> -> memref<128x128xf32, #tpu.memory_space<hbm>>
    tpu.enqueue_dma source(%arg14 : memref<128x128xf32, #tpu.memory_space<vmem>>) target(%dma_start3A_116 : memref<128x128xf32, #tpu.memory_space<hbm>>) target_semaphore(%arg26 : memref<!tpu.dma_semaphore, #tpu.memory_space<semaphore_mem>>)
    %add3A_117 = arith.constant 384 : i32
    %add3A_118 = arith.addi %mul3A_2, %add3A_117 : i32
    %dma_wait3A_119 = arith.constant 384 : i32
    %dma_wait3A_120 = tpu.memref_slice %arg7[%dma_wait3A_119] : memref<512xi32, #tpu.memory_space<vmem>> -> memref<128xi32, #tpu.memory_space<vmem>>
    %dma_wait3A_121 = arith.constant 0 : i32
    %dma_wait3A_122 = arith.constant 0 : i32
    %dma_wait3A_123 = tpu.memref_slice %arg2[%dma_wait3A_121, %dma_wait3A_122] : memref<100000x128xf32, #tpu.memory_space<hbm>> -> memref<100000x128xf32, #tpu.memory_space<hbm>>
    tpu.wait_indirect_dma semaphore(%arg15 : memref<!tpu.dma_semaphore, #tpu.memory_space<semaphore_mem>>) src(%dma_wait3A_123 : memref<100000x128xf32, #tpu.memory_space<hbm>>) dst(%arg9 : memref<128x128xf32, #tpu.memory_space<vmem>>)
    %dma_start3A_124 = arith.constant 0 : i32
    %dma_start3A_125 = tpu.memref_slice %arg6[%add3A_118, %dma_start3A_124] : memref<16384x256xf32, #tpu.memory_space<hbm>> -> memref<128x128xf32, #tpu.memory_space<hbm>>
    %dma_start3A_126 = arith.constant 0 : i32
    %dma_start3A_127 = tpu.memref_slice %arg6[%add3A_118, %dma_start3A_126] : memref<16384x256xf32, #tpu.memory_space<hbm>> -> memref<128x128xf32, #tpu.memory_space<hbm>>
    tpu.enqueue_dma source(%arg9 : memref<128x128xf32, #tpu.memory_space<vmem>>) target(%dma_start3A_127 : memref<128x128xf32, #tpu.memory_space<hbm>>) target_semaphore(%arg21 : memref<!tpu.dma_semaphore, #tpu.memory_space<semaphore_mem>>)
    %dma_wait3A_128 = arith.constant 384 : i32
    %dma_wait3A_129 = tpu.memref_slice %arg8[%dma_wait3A_128] : memref<512xi32, #tpu.memory_space<vmem>> -> memref<128xi32, #tpu.memory_space<vmem>>
    %dma_wait3A_130 = arith.constant 0 : i32
    %dma_wait3A_131 = arith.constant 0 : i32
    %dma_wait3A_132 = tpu.memref_slice %arg3[%dma_wait3A_130, %dma_wait3A_131] : memref<100000x128xf32, #tpu.memory_space<hbm>> -> memref<100000x128xf32, #tpu.memory_space<hbm>>
    tpu.wait_indirect_dma semaphore(%arg18 : memref<!tpu.dma_semaphore, #tpu.memory_space<semaphore_mem>>) src(%dma_wait3A_132 : memref<100000x128xf32, #tpu.memory_space<hbm>>) dst(%arg12 : memref<128x128xf32, #tpu.memory_space<vmem>>)
    %dma_start3A_133 = arith.constant 128 : i32
    %dma_start3A_134 = tpu.memref_slice %arg6[%add3A_118, %dma_start3A_133] : memref<16384x256xf32, #tpu.memory_space<hbm>> -> memref<128x128xf32, #tpu.memory_space<hbm>>
    %dma_start3A_135 = arith.constant 128 : i32
    %dma_start3A_136 = tpu.memref_slice %arg6[%add3A_118, %dma_start3A_135] : memref<16384x256xf32, #tpu.memory_space<hbm>> -> memref<128x128xf32, #tpu.memory_space<hbm>>
    tpu.enqueue_dma source(%arg12 : memref<128x128xf32, #tpu.memory_space<vmem>>) target(%dma_start3A_136 : memref<128x128xf32, #tpu.memory_space<hbm>>) target_semaphore(%arg24 : memref<!tpu.dma_semaphore, #tpu.memory_space<semaphore_mem>>)
    %dma_wait3A_137 = arith.constant 0 : i32
    %dma_wait3A_138 = tpu.memref_slice %arg6[%add3A_78, %dma_wait3A_137] : memref<16384x256xf32, #tpu.memory_space<hbm>> -> memref<128x128xf32, #tpu.memory_space<hbm>>
    %dma_wait3A_139 = arith.constant 0 : i32
    %dma_wait3A_140 = tpu.memref_slice %arg6[%add3A_78, %dma_wait3A_139] : memref<16384x256xf32, #tpu.memory_space<hbm>> -> memref<128x128xf32, #tpu.memory_space<hbm>>
    tpu.wait_dma2 semaphore(%arg22 : memref<!tpu.dma_semaphore, #tpu.memory_space<semaphore_mem>>) src(%arg10 : memref<128x128xf32, #tpu.memory_space<vmem>>) dst(%dma_wait3A_140 : memref<128x128xf32, #tpu.memory_space<hbm>>)
    %dma_wait3A_141 = arith.constant 128 : i32
    %dma_wait3A_142 = tpu.memref_slice %arg6[%add3A_78, %dma_wait3A_141] : memref<16384x256xf32, #tpu.memory_space<hbm>> -> memref<128x128xf32, #tpu.memory_space<hbm>>
    %dma_wait3A_143 = arith.constant 128 : i32
    %dma_wait3A_144 = tpu.memref_slice %arg6[%add3A_78, %dma_wait3A_143] : memref<16384x256xf32, #tpu.memory_space<hbm>> -> memref<128x128xf32, #tpu.memory_space<hbm>>
    tpu.wait_dma2 semaphore(%arg25 : memref<!tpu.dma_semaphore, #tpu.memory_space<semaphore_mem>>) src(%arg13 : memref<128x128xf32, #tpu.memory_space<vmem>>) dst(%dma_wait3A_144 : memref<128x128xf32, #tpu.memory_space<hbm>>)
    %dma_wait3A_145 = arith.constant 0 : i32
    %dma_wait3A_146 = tpu.memref_slice %arg6[%add3A_98, %dma_wait3A_145] : memref<16384x256xf32, #tpu.memory_space<hbm>> -> memref<128x128xf32, #tpu.memory_space<hbm>>
    %dma_wait3A_147 = arith.constant 0 : i32
    %dma_wait3A_148 = tpu.memref_slice %arg6[%add3A_98, %dma_wait3A_147] : memref<16384x256xf32, #tpu.memory_space<hbm>> -> memref<128x128xf32, #tpu.memory_space<hbm>>
    tpu.wait_dma2 semaphore(%arg23 : memref<!tpu.dma_semaphore, #tpu.memory_space<semaphore_mem>>) src(%arg11 : memref<128x128xf32, #tpu.memory_space<vmem>>) dst(%dma_wait3A_148 : memref<128x128xf32, #tpu.memory_space<hbm>>)
    %dma_wait3A_149 = arith.constant 128 : i32
    %dma_wait3A_150 = tpu.memref_slice %arg6[%add3A_98, %dma_wait3A_149] : memref<16384x256xf32, #tpu.memory_space<hbm>> -> memref<128x128xf32, #tpu.memory_space<hbm>>
    %dma_wait3A_151 = arith.constant 128 : i32
    %dma_wait3A_152 = tpu.memref_slice %arg6[%add3A_98, %dma_wait3A_151] : memref<16384x256xf32, #tpu.memory_space<hbm>> -> memref<128x128xf32, #tpu.memory_space<hbm>>
    tpu.wait_dma2 semaphore(%arg26 : memref<!tpu.dma_semaphore, #tpu.memory_space<semaphore_mem>>) src(%arg14 : memref<128x128xf32, #tpu.memory_space<vmem>>) dst(%dma_wait3A_152 : memref<128x128xf32, #tpu.memory_space<hbm>>)
    %dma_wait3A_153 = arith.constant 0 : i32
    %dma_wait3A_154 = tpu.memref_slice %arg6[%add3A_118, %dma_wait3A_153] : memref<16384x256xf32, #tpu.memory_space<hbm>> -> memref<128x128xf32, #tpu.memory_space<hbm>>
    %dma_wait3A_155 = arith.constant 0 : i32
    %dma_wait3A_156 = tpu.memref_slice %arg6[%add3A_118, %dma_wait3A_155] : memref<16384x256xf32, #tpu.memory_space<hbm>> -> memref<128x128xf32, #tpu.memory_space<hbm>>
    tpu.wait_dma2 semaphore(%arg21 : memref<!tpu.dma_semaphore, #tpu.memory_space<semaphore_mem>>) src(%arg9 : memref<128x128xf32, #tpu.memory_space<vmem>>) dst(%dma_wait3A_156 : memref<128x128xf32, #tpu.memory_space<hbm>>)
    %dma_wait3A_157 = arith.constant 128 : i32
    %dma_wait3A_158 = tpu.memref_slice %arg6[%add3A_118, %dma_wait3A_157] : memref<16384x256xf32, #tpu.memory_space<hbm>> -> memref<128x128xf32, #tpu.memory_space<hbm>>
    %dma_wait3A_159 = arith.constant 128 : i32
    %dma_wait3A_160 = tpu.memref_slice %arg6[%add3A_118, %dma_wait3A_159] : memref<16384x256xf32, #tpu.memory_space<hbm>> -> memref<128x128xf32, #tpu.memory_space<hbm>>
    tpu.wait_dma2 semaphore(%arg24 : memref<!tpu.dma_semaphore, #tpu.memory_space<semaphore_mem>>) src(%arg12 : memref<128x128xf32, #tpu.memory_space<vmem>>) dst(%dma_wait3A_160 : memref<128x128xf32, #tpu.memory_space<hbm>>)
    return
  }
}

</mosaic_0001>

<sc_bundles>
// kernel: _gather_concat.3.cloned.1.call-start
scs
__scs_entry_jumppad:
0x0: {  	(pc) =	sbr.rel $0x88, $3  }
0x1: {  	(tag) =	ssettag $0x0;
	lr =	simm.s32 $0x1  }
0x2: {  	[smem:$0x3F9D] =	sst lr;
	_ =	strace $0xD0000000  }
0x3: {  	_ = 	snop  }
0x4: {  	_ = 	snop  }
0x5: {  	_ = 	snop  }
0x6: {  	_ = 	snop  }
0x7: {  	_ = 	snop  }
__scs_overlays_trampoline_lowered:
0x8: {  	[smem:$0x3FAC] =	sst s0  }
0x9: {  	[smem:$0x3FAD] =	sst s1  }
0xa: {  	[smem:$0x3FAE] =	sst s2  }
0xb: {  	[smem:$0x3FAF] =	sst s3  }
0xc: {  	[smem:$0x3FB0] =	sst s4  }
0xd: {  	[smem:$0x3FB1] =	sst s5  }
0xe: {  	[smem:$0x3FB2] =	sst s6  }
0xf: {  	[smem:$0x3FB3] =	sst s7  }
0x10: {  	[smem:$0x3FB4] =	sst s8  }
0x11: {  	[smem:$0x3FB5] =	sst s9;
	s0 =	simm.s32 @!p0 $0x0  }
0x12: {  	s1 =	sld [smem:$0x3F9B];
	s0 =	simm.s32 @p0 $0x1  }
0x13: {  	[smem:$0x3FB6] =	sst s0;
	s0 =	simm.s32 @!p1 $0x0  }
0x14: {  	s2 =	sld [smem:$0x3F9A];
	s0 =	simm.s32 @p1 $0x1  }
0x15: {  	[smem:$0x3FB7] =	sst s0;
	s0 =	simm.s32 @!p2 $0x0  }
0x16: {  	s3 =	sld [smem:$0x3FDB];
	s0 =	simm.s32 @p2 $0x1  }
0x17: {  	s4 =	simm.s32 $0x1BF5;
	[smem:$0x3FB9] =	sst s0  }
0x18: {  	s0 =	sld [smem:$0x3F9C];
	_ =	swait.ge [sflag:s4], $0x0  }
0x19: {  	s7 =	sld [smem:$0x3F9D]  }
0x1a: {  	s8 =	sadd.s32 $0xFFFFE003, lr  }
0x1b: {  	s9 =	sadd.s32 $0xFFFFFEF7, lr;
	s5 =	simm.s32 $0xFFFFFFFF;
	p2 =	slt.u32 s8, $0xFFFFF086  }
0x1c: {  	p1 =	slt.u32 s9, $0xF7A;
	s5 =	simm.s32 @!p2 $0x0  }
0x1d: {  	s5 =	simm.s32 @p1 $0x1;
	p0 =	seq.s32 s7, s2  }
0x1e: {  	s7 =	smul.u32 @!p0 $0xF7A, s2;
	p2 =	seq.s32 @!p0 s5, $0x0  }
0x1f: {  	s9 =	smul.u32 $0xF7A, s1;
	s8 =	simm.s32 @!p0 $0x1BF5;
	p2 =	por !p2, p0  }
0x20: {  	[sflag:s8] =	ssyncset.s32 @!p0 $0xFFFFF086;
	s6 =	sadd.s32 @!p0 s3, s7;
	s7 =	simm.s32 @!p0 $0x108  }
0x21: {  	s3 =	sadd.s32 s3, s9;
	s6 =	sadd.s32 @!p0 $0x88, s6;
	s7 =	simm.s32 @p2 $0x1082  }
0x22: {  	[simem:s7], [sflag:s8] =	dma.local @!p0 [hbm:s6], $0xF7A  }
0x23: {  	s9 =	sor.u32 $0xD0000000, s2;
	s6 =	simm.s32 $0x108;
	_ =	swait.ge @!p0 [sflag:s8], $0x0  }
0x24: {  	s3 =	sadd.s32 $0x88, s3;
	s6 =	simm.s32 @!p1 $0x1082;
	[sflag:s4] =	ssyncset.s32 $0xFFFFF086  }
0x25: {  	[simem:s6], [sflag:s4] =	dma.local [hbm:s3], $0xF7A  }
0x26: {  	[smem:$0x3F9D] =	sst s1;
	(tag) =	ssettag s2;
	_ =	strace s9  }
0x27: {  	s1 =	sld [smem:$0x3FAD]  }
0x28: {  	s2 =	sld [smem:$0x3FAE]  }
0x29: {  	s4 =	sld [smem:$0x3FB0]  }
0x2a: {  	p0 =	seq.s32 s5, $0x0;
	s5 =	sld [smem:$0x3FB1]  }
0x2b: {  	s6 =	sld [smem:$0x3FB2]  }
0x2c: {  	s7 =	sld [smem:$0x3FB3]  }
0x2d: {  	s3 =	simm.s32 $0x108;
	s8 =	sld [smem:$0x3FB4]  }
0x2e: {  	s3 =	simm.s32 @!p0 $0x1082;
	s9 =	sld [smem:$0x3FB5]  }
0x2f: {  	lr =	sadd.s32 s0, s3;
	s0 =	sld [smem:$0x3FAC]  }
0x30: {  	s3 =	sld [smem:$0x3FAF]  }
0x31: {  	[smem:$0x3FB8] =	sst s10  }
0x32: {  	s10 =	sld [smem:$0x3FB6];
	_ =	sdelay $0x3  }
0x33: {  	p0 =	seq.s32 s10, $0x1;
	s10 =	sld [smem:$0x3FB8];
	_ =	sdelay $0x3  }
0x34: {  	[smem:$0x3FB8] =	sst s10  }
0x35: {  	s10 =	sld [smem:$0x3FB7];
	_ =	sdelay $0x3  }
0x36: {  	p1 =	seq.s32 s10, $0x1;
	s10 =	sld [smem:$0x3FB8];
	_ =	sdelay $0x3  }
0x37: {  	[smem:$0x3FB8] =	sst s10  }
0x38: {  	s10 =	sld [smem:$0x3FB9]  }
0x39: {  	_ = 	snop;
	(pc) =	sbr.ind lr, $3  }
0x3a: {  	_ = 	snop  }
0x3b: {  	_ = 	snop  }
0x3c: {  	p2 =	seq.s32 s10, $0x1;
	s10 =	sld [smem:$0x3FB8]  }
0x3d: {  	_ =	shalt  }
0x3e: {  	_ =	shalt  }
0x3f: {  	_ =	shalt  }
0x40: {  	_ =	shalt  }
0x41: {  	_ =	shalt  }
0x42: {  	_ =	shalt  }
0x43: {  	_ =	shalt  }
0x44: {  	_ =	shalt  }
0x45: {  	_ =	shalt  }
0x46: {  	_ =	shalt  }
0x47: {  	_ =	shalt  }
0x48: {  	_ =	shalt  }
0x49: {  	_ =	shalt  }
0x4a: {  	_ =	shalt  }
0x4b: {  	_ =	shalt  }
0x4c: {  	_ =	shalt  }
0x4d: {  	_ =	shalt  }
0x4e: {  	_ =	shalt  }
0x4f: {  	_ =	shalt  }
0x50: {  	_ =	shalt  }
0x51: {  	_ =	shalt  }
0x52: {  	_ =	shalt  }
0x53: {  	_ =	shalt  }
0x54: {  	_ =	shalt  }
0x55: {  	_ =	shalt  }
0x56: {  	_ =	shalt  }
0x57: {  	_ =	shalt  }
0x58: {  	_ =	shalt  }
0x59: {  	_ =	shalt  }
0x5a: {  	_ =	shalt  }
0x5b: {  	_ =	shalt  }
0x5c: {  	_ =	shalt  }
0x5d: {  	_ =	shalt  }
0x5e: {  	_ =	shalt  }
0x5f: {  	_ =	shalt  }
0x60: {  	_ =	shalt  }
0x61: {  	_ =	shalt  }
0x62: {  	_ =	shalt  }
0x63: {  	_ =	shalt  }
0x64: {  	_ =	shalt  }
0x65: {  	_ =	shalt  }
0x66: {  	_ =	shalt  }
0x67: {  	_ =	shalt  }
0x68: {  	_ =	shalt  }
0x69: {  	_ =	shalt  }
0x6a: {  	_ =	shalt  }
0x6b: {  	_ =	shalt  }
0x6c: {  	_ =	shalt  }
0x6d: {  	_ =	shalt  }
0x6e: {  	_ =	shalt  }
0x6f: {  	_ =	shalt  }
0x70: {  	_ =	shalt  }
0x71: {  	_ =	shalt  }
0x72: {  	_ =	shalt  }
0x73: {  	_ =	shalt  }
0x74: {  	_ =	shalt  }
0x75: {  	_ =	shalt  }
0x76: {  	_ =	shalt  }
0x77: {  	_ =	shalt  }
0x78: {  	_ =	shalt  }
0x79: {  	_ =	shalt  }
0x7a: {  	_ =	shalt  }
0x7b: {  	_ =	shalt  }
0x7c: {  	_ =	shalt  }
0x7d: {  	_ =	shalt  }
0x7e: {  	_ =	shalt  }
0x7f: {  	_ =	shalt  }
0x80: {  	_ =	shalt  }
0x81: {  	_ =	shalt  }
0x82: {  	_ =	shalt  }
0x83: {  	_ =	shalt  }
0x84: {  	_ =	shalt  }
0x85: {  	_ =	shalt  }
0x86: {  	_ =	shalt  }
0x87: {  	_ =	shalt  }
.Lfunc_end0:
.L_simem_size_0:
called_computation_lowered:
.L_overlay_start_0:
0x88: {  	s2 =	sld [smem:$0x3FD9]  }
0x89: {  	s3 =	sld [smem:$0x3FFE];
	_ =	sdelay $0x1  }
0x8a: {  	s1 =	srdreg.scid  }
0x8b: {  	s0 =	sand.u32 $0x1, s1  }
0x8c: {  	s18 =	sshll.u32 s0, $0xA;
	s2 =	sadd.s32 s3, s2  }
0x8d: {  	s2 =	sadd.s32 s2, s18  }
0x8e: {  	[smem:$0x3FC4] =	sst s2  }
0x8f: {  	_ = 	snop  }
0x90: {  	s2 =	sld [smem:$0x3FC9]  }
0x91: {  	s19 =	sld [smem:$0x3FC8]  }
0x92: {  	s4 =	sld [smem:$0x3FC7]  }
0x93: {  	s5 =	sld [smem:$0x3FC6]  }
0x94: {  	s6 =	sld [smem:$0x3FD0];
	(tm) =	ssettm $0x1  }
0x95: {  	s7 =	sld [smem:$0x3FFB];
	_ =	sdelay $0x3  }
0x96: {  	_ =	strace s7  }
0x97: {  	s7 =	sld [smem:$0x3FFC];
	_ =	sdelay $0x3  }
0x98: {  	_ =	strace s7  }
0x99: {  	s7 =	sld [smem:$0x3FFD];
	_ =	sdelay $0x3  }
0x9a: {  	_ =	strace s7  }
0x9b: {  	_ =	strace $0x8FFFFFFF  }
0x9c: {  	s20 =	sld [smem:$0x3FDB];
	_ =	sdelay $0x1  }
0x9d: {  	s8 =	simm.s32 $_scs_section_size  }
0x9e: {  	s9 =	simm.s32 $_size__tile_overlayer_lowered;
	s10 =	simm.s32 $_tile_overlayer_lowered  }
0x9f: {  	s23 =	simm.s32 $0x1BFF;
	s22 =	sshll.u32 s10, $0x1;
	s7 =	sadd.s32 s8, s20  }
0xa0: {  	s11 =	simm.s32 $0x0;
	s21 =	sshll.u32 s9, $0x1;
	s9 =	sadd.s32 s22, s7  }
0xa1: {  	[timem:s11], [sflag:s23] =	dma.local [hbm:s9], s21  }
0xa2: {  	_ =	swait.ge [sflag:s23], s21  }
0xa3: {  	s8 =	ssub.s32 $0x0, s21;
	[sflag:s23] =	ssyncset.done $0x0  }
0xa4: {  	[sflag:s23] =	ssyncadd.s32 s8;
	_ =	sdelay $0x1  }
0xa5: {  	s24 =	simm.s32 $0x1B8B  }
0xa6: {  	_ =	swait.ge [sflag:s24], $0x1  }
0xa7: {  	[sflag:s24] =	ssyncset.done $0x0  }
0xa8: {  	s25 =	simm.s32 $0x1B8E;
	[sflag:s24] =	ssyncadd.s32 $0xFFFFFFFF  }
0xa9: {  	s26 =	simm.s32 $execute0_lowered;
	[smem:$0x3FD2] =	sst s25  }
0xaa: {  	s8 =	sshll.u32 s26, $0x1;
	_ =	strace $0x80000046;
	[dreg:$0x1] =	wrdreg $0xFFFFFFFF  }
0xab: {  	s28 =	simm.s32 $_size_execute0_lowered;
	s7 =	sadd.s32 s7, s8;
	[dreg:$0x0] =	wrdreg $0x0  }
0xac: {  	s8 =	sshll.u32 s28, $0x1;
	[dreg:$0x2] =	wrdreg s7  }
0xad: {  	[dreg:$0x3] =	wrdreg s8  }
0xae: {  	[dreg:$0x4] =	wrdreg $0xC0  }
0xaf: {  	_ =	task [dreg:s11], $0x5FFFF  }
0xb0: {  	[dreg:$0x1] =	wrdreg $0xFFFFFFFF  }
0xb1: {  	[dreg:$0x0] =	wrdreg $0x60  }
0xb2: {  	[dreg:$0x2] =	wrdreg s2  }
0xb3: {  	[dreg:$0x3] =	wrdreg s19  }
0xb4: {  	[dreg:$0x4] =	wrdreg s4  }
0xb5: {  	[dreg:$0x5] =	wrdreg s5  }
0xb6: {  	[dreg:$0x6] =	wrdreg s6  }
0xb7: {  	[dreg:$0x7] =	wrdreg $0x9  }
0xb8: {  	_ =	task.clear_ibuf [dreg:s11], $0x8FFFF;
	_ =	strace $0x90000046  }
0xb9: {  	s29 =	simm.s32 $0x9;
	_ =	strace $0x80000048  }
0xba: {  	_ =	swait.ge [sflag:s29], $0x1  }
0xbb: {  	[sflag:s29] =	ssyncadd.s32 $0xFFFFFFFF  }
0xbc: {  	_ =	strace $0x90000048  }
0xbd: {  	_ =	sfence  }
0xbe: {  	s30 =	sld [smem:$0x0];
	_ =	sdelay $0x2  }
0xbf: {  	s31 =	sshll.u32 s1, $0xD;
	s1 =	sshrl.u32 s1, $0x2  }
0xc0: {  	s3 =	sand.u32 $0x4000, s31;
	s1 =	sadd.s32 s1, s30  }
0xc1: {  	s0 =	sor.u32 s3, s0;
	s1 =	sshll.u32 s1, $0x11  }
0xc2: {  	s0 =	sor.u32 s1, s0  }
0xc3: {  	s0 =	sadd.s32 $0x8F2B, s0  }
0xc4: {  	[sflag:s0] =	ssyncadd.remote.s32 $0x1  }
0xc5: {  	_ =	sfence.sel $0xFFFF  }
0xc6: {  	[dreg:$0x0] =	wrdreg $0xFFFFFFFF;
	(pc) =	sbr.abs _section_cstart, $3  }
0xc7: {  	[dreg:$0x1] =	wrdreg $0xFFFFFFFF  }
0xc8: {  	_ =	task.clear_ibuf [dreg:s11], $0x2FFFF;
	_ =	strace $0x9FFFFFFF  }
0xc9: {  	(tm) =	ssettm $0x7FFFFFFF  }
tec
execute0_lowered:
.L_overlay_start_1:
0x0: {  	(tag) =	ssettag $0x1  }
0x1: {  	s2 =	rddreg [dreg:$0x0]  }
0x2: {  	s3 =	rddreg [dreg:$0x1]  }
0x3: {  	s0 =	rddreg [dreg:$0x2];
	s1 =	srdreg.scid  }
0x4: {  	s4 =	rddreg [dreg:$0x3];
	s6 =	stileid.u32  }
0x5: {  	s5 =	rddreg [dreg:$0x4];
	s16 =	simm.s32 $0x0;
	s29 =	simm.s32 $0x200  }
0x6: {  	s30 =	simm.s32 $0xD;
	s25 =	simm.s32 $0x280;
	s26 =	simm.s32 $0x100  }
0x7: {  	s11 =	simm.s32 $0x1;
	s8 =	simm.s32 $0x800;
	s9 =	simm.s32 $0x4  }
0x8: {  	s28 =	simm.s32 $0x180;
	s31 =	simm.s32 $0x380;
	s24 =	simm.s32 $0x5  }
0x9: {  	p0 =	por $0x0, $0x0;
	s10 =	simm.s32 $0xC;
	s1 =	sand.u32 $0x1, s1  }
0xa: {  	s6 =	sshll.u32 s6, $0xA;
	[smem:$0x7FF] =	sst s16;
	s7 =	sshll.u32 s1, $0x9  }
0xb: {  	_ =	strace $0x80000047;
	s1 =	ssub.s32 $0x2, s1;
	[dreg:$0xf] =	wrdreg s25  }
0xc: {  	[dreg:$0x10] =	wrdreg s26;
	s25 =	simm.s32 $0x2;
	s6 =	sor.u32 s7, s6  }
0xd: {  	s20 =	sshrl.u32 s1, $0x1;
	s7 =	sshrl.u32 s6, $0x3;
	s6 =	sshll.u32 s6, $0x5  }
0xe: {  	s1 =	ssub.s32 s1, s20;
	s20 =	simm.s32 $0x4400;
	s0 =	sadd.s32 s0, s7  }
0xf: {  	s12 =	sadd.s32 s4, s7;
	s13 =	sadd.s32 s5, s6;
	s23 =	smax.u32 s1, $0x1  }
0x10: {  	s6 =	simm.s32 $0x400;
	s7 =	simm.s32 $0xC400;
	[dreg:$0x6] =	wrdreg s0  }
0x11: {  	s5 =	simm.s32 $0x7;
	[dreg:$0x7] =	wrdreg s12;
	s14 =	sadd.s32 $0x80, s13  }
0x12: {  	s4 =	simm.s32 $0xA;
	s15 =	sadd.s32 $0x1000, s13;
	[dreg:$0x8] =	wrdreg s14  }
0x13: {  	s17 =	sadd.s32 $0x1080, s13;
	s18 =	sadd.s32 $0x2000, s13;
	[dreg:$0x9] =	wrdreg s15  }
0x14: {  	s19 =	sadd.s32 $0x2080, s13;
	s21 =	sadd.s32 $0x3000, s13;
	[dreg:$0xa] =	wrdreg s17  }
0x15: {  	s22 =	sadd.s32 $0x3080, s13;
	p1 =	sne.s32 s23, $0x1;
	[dreg:$0xb] =	wrdreg s18  }
.Ltmp0:
0x16: {  	s26 =	sadd.s32 $0xFFFFFFFF, s23;
	[dreg:$0xc] =	wrdreg s19;
	(pc) =	sbr.rel @!p1 .LBB2_1-.Ltmp0, $4  }
0x17: {  	s23 =	simm.s32 $0x3;
	s12 =	simm.s32 $0x9;
	[dreg:$0xd] =	wrdreg s21  }
0x18: {  	[dreg:$0xe] =	wrdreg s22;
	s21 =	simm.s32 $0x80;
	s19 =	simm.s32 $0x10400  }
0x19: {  	s18 =	simm.s32 $0x8400;
	s14 =	simm.s32 $0x14400;
	s22 =	simm.s32 $0x6  }
0x1a: {  	s17 =	simm.s32 $0x8;
	s15 =	simm.s32 $0xB;
	s0 =	rddreg [dreg:$0x6]  }
0x1b: {  	[tilespmem:s16], [sflag:$0xD] =	stream.linear.gather [hbm4b:s0+s16], $0x200, $0x38;
	[tilespmem:$0x18400] =	vst v63  }
0x1c: {  	s1 =	rddreg [dreg:$0x7]  }
0x1d: {  	[tilespmem:s29], [sflag:$0xD] =	stream.linear.gather [hbm4b:s1+s16], $0x200, $0x38;
	[tilespmem:$0x18400] =	vst v63  }
0x1e: {  	_ =	swait.ge [sflag:s30], $0x200  }
0x1f: {  	[sflag:s30] =	ssyncset.done $0x0  }
0x20: {  	[sflag:s30] =	ssyncadd.s32 $0xFFFFFE00  }
0x21: {  	_ =	swait.ge [sflag:s30], $0x200  }
0x22: {  	[sflag:s30] =	ssyncset.done $0x0  }
0x23: {  	[sflag:s30] =	ssyncadd.s32 $0xFFFFFE00  }
0x24: {  	[tilespmem:s6], [sflag:$0x1] =	stream.indirect.gather [hbm4b:s2+s21], $0x80, s16, s21, $0xb8;
	[tilespmem:$0x18400] =	vst v63  }
0x25: {  	_ = 	snop  }
0x26: {  	[tilespmem:s7], [sflag:$0x4] =	stream.indirect.gather [hbm4b:s3+s21], $0x80, s29, s21, $0xb8;
	[tilespmem:$0x18400] =	vst v63  }
0x27: {  	_ = 	snop  }
0x28: {  	[tilespmem:s20], [sflag:$0x2] =	stream.indirect.gather [hbm4b:s2+s21], $0x80, s21, s21, $0xb8;
	[tilespmem:$0x18400] =	vst v63  }
0x29: {  	s0 =	rddreg [dreg:$0xf]  }
0x2a: {  	[tilespmem:s19], [sflag:$0x5] =	stream.indirect.gather [hbm4b:s3+s21], $0x80, s0, s21, $0xb8;
	[tilespmem:$0x18400] =	vst v63  }
0x2b: {  	s1 =	rddreg [dreg:$0x10]  }
0x2c: {  	[tilespmem:s18], [sflag:$0x3] =	stream.indirect.gather [hbm4b:s2+s21], $0x80, s1, s21, $0xb8;
	[tilespmem:$0x18400] =	vst v63  }
0x2d: {  	s1 =	simm.s32 $0x300  }
0x2e: {  	[tilespmem:s14], [sflag:$0x6] =	stream.indirect.gather [hbm4b:s3+s21], $0x80, s1, s21, $0xb8;
	[tilespmem:$0x18400] =	vst v63  }
0x2f: {  	_ =	swait.ge [sflag:s11], $0x4000  }
0x30: {  	[sflag:s11] =	ssyncset.done $0x0  }
0x31: {  	[sflag:s11] =	ssyncadd.s32 $0xFFFFC000  }
0x32: {  	[hbm4b:s13+s6] =	stream.strided.scatter [tilespmem:s6], [sflag:$0x7], $0x4000, s8, s6, $0x38;
	[tilespmem:$0x18400] =	vst v63  }
0x33: {  	_ =	swait.ge [sflag:s9], $0x4000  }
0x34: {  	[sflag:s9] =	ssyncset.done $0x0  }
0x35: {  	s1 =	rddreg [dreg:$0x8];
	[sflag:s9] =	ssyncadd.s32 $0xFFFFC000  }
0x36: {  	[hbm4b:s1+s6] =	stream.strided.scatter [tilespmem:s7], [sflag:$0xA], $0x4000, s8, s6, $0x38;
	[tilespmem:$0x18400] =	vst v63  }
0x37: {  	_ =	swait.ge [sflag:s5], $0x4000  }
0x38: {  	[sflag:s5] =	ssyncset.done $0x0  }
0x39: {  	[sflag:s5] =	ssyncadd.s32 $0xFFFFC000  }
0x3a: {  	_ =	swait.ge [sflag:s4], $0x4000  }
0x3b: {  	[sflag:s4] =	ssyncset.done $0x0  }
0x3c: {  	[sflag:s4] =	ssyncadd.s32 $0xFFFFC000  }
0x3d: {  	[tilespmem:s6], [sflag:$0x1] =	stream.indirect.gather [hbm4b:s2+s21], $0x80, s28, s21, $0xb8;
	[tilespmem:$0x18400] =	vst v63  }
0x3e: {  	_ = 	snop  }
0x3f: {  	[tilespmem:s7], [sflag:$0x4] =	stream.indirect.gather [hbm4b:s3+s21], $0x80, s31, s21, $0xb8;
	[tilespmem:$0x18400] =	vst v63  }
0x40: {  	_ =	swait.ge [sflag:s25], $0x4000  }
0x41: {  	[sflag:s25] =	ssyncset.done $0x0  }
0x42: {  	s1 =	rddreg [dreg:$0x9];
	[sflag:s25] =	ssyncadd.s32 $0xFFFFC000  }
0x43: {  	[hbm4b:s1+s6] =	stream.strided.scatter [tilespmem:s20], [sflag:$0x8], $0x4000, s8, s6, $0x38;
	[tilespmem:$0x18400] =	vst v63  }
0x44: {  	_ =	swait.ge [sflag:s24], $0x4000  }
0x45: {  	[sflag:s24] =	ssyncset.done $0x0  }
0x46: {  	s1 =	rddreg [dreg:$0xa];
	[sflag:s24] =	ssyncadd.s32 $0xFFFFC000  }
0x47: {  	[hbm4b:s1+s6] =	stream.strided.scatter [tilespmem:s19], [sflag:$0xB], $0x4000, s8, s6, $0x38;
	[tilespmem:$0x18400] =	vst v63  }
0x48: {  	_ =	swait.ge [sflag:s23], $0x4000  }
0x49: {  	[sflag:s23] =	ssyncset.done $0x0  }
0x4a: {  	s1 =	rddreg [dreg:$0xb];
	[sflag:s23] =	ssyncadd.s32 $0xFFFFC000  }
0x4b: {  	[hbm4b:s1+s6] =	stream.strided.scatter [tilespmem:s18], [sflag:$0x9], $0x4000, s8, s6, $0x38;
	[tilespmem:$0x18400] =	vst v63  }
0x4c: {  	_ =	swait.ge [sflag:s22], $0x4000  }
0x4d: {  	[sflag:s22] =	ssyncset.done $0x0  }
0x4e: {  	s1 =	rddreg [dreg:$0xc];
	[sflag:s22] =	ssyncadd.s32 $0xFFFFC000  }
0x4f: {  	[hbm4b:s1+s6] =	stream.strided.scatter [tilespmem:s14], [sflag:$0xC], $0x4000, s8, s6, $0x38;
	[tilespmem:$0x18400] =	vst v63  }
0x50: {  	_ =	swait.ge [sflag:s11], $0x4000  }
0x51: {  	[sflag:s11] =	ssyncset.done $0x0  }
0x52: {  	s1 =	rddreg [dreg:$0xd];
	[sflag:s11] =	ssyncadd.s32 $0xFFFFC000  }
0x53: {  	[hbm4b:s1+s6] =	stream.strided.scatter [tilespmem:s6], [sflag:$0x7], $0x4000, s8, s6, $0x38;
	[tilespmem:$0x18400] =	vst v63  }
0x54: {  	_ =	swait.ge [sflag:s9], $0x4000  }
0x55: {  	[sflag:s9] =	ssyncset.done $0x0  }
0x56: {  	s1 =	rddreg [dreg:$0xe];
	[sflag:s9] =	ssyncadd.s32 $0xFFFFC000  }
0x57: {  	[hbm4b:s1+s6] =	stream.strided.scatter [tilespmem:s7], [sflag:$0xA], $0x4000, s8, s6, $0x38;
	[tilespmem:$0x18400] =	vst v63  }
0x58: {  	_ =	swait.ge [sflag:s17], $0x4000  }
0x59: {  	[sflag:s17] =	ssyncset.done $0x0  }
0x5a: {  	[sflag:s17] =	ssyncadd.s32 $0xFFFFC000  }
0x5b: {  	_ =	swait.ge [sflag:s15], $0x4000  }
0x5c: {  	[sflag:s15] =	ssyncset.done $0x0  }
0x5d: {  	[sflag:s15] =	ssyncadd.s32 $0xFFFFC000  }
0x5e: {  	_ =	swait.ge [sflag:s12], $0x4000  }
0x5f: {  	[sflag:s12] =	ssyncset.done $0x0  }
0x60: {  	[sflag:s12] =	ssyncadd.s32 $0xFFFFC000  }
0x61: {  	_ =	swait.ge [sflag:s10], $0x4000  }
0x62: {  	[sflag:s10] =	ssyncset.done $0x0  }
0x63: {  	p1 =	sne.s32 s26, $0x1;
	[sflag:s10] =	ssyncadd.s32 $0xFFFFC000  }
.Ltmp1:
0x64: {  	_ =	swait.ge [sflag:s5], $0x4000;
	(pc) =	sbr.rel @!p1 .LBB2_3-.Ltmp1, $4  }
0x65: {  	[sflag:s5] =	ssyncset.done $0x0  }
0x66: {  	[sflag:s5] =	ssyncadd.s32 $0xFFFFC000  }
0x67: {  	p0 =	por $0x1, $0x1;
	_ =	swait.ge [sflag:s4], $0x4000  }
0x68: {  	s1 =	sadd.s32 $0xFFFFFFFF, s26;
	s0 =	rddreg [dreg:$0x6];
	[sflag:s4] =	ssyncset.done $0x0  }
.LBB2_4:
0x69: {  	[sflag:s4] =	ssyncadd.s32 $0xFFFFC000  }
0x6a: {  	[tilespmem:s16], [sflag:$0xD] =	stream.linear.gather [hbm4b:s0+s16], $0x200, $0x38;
	[tilespmem:$0x18400] =	vst v63  }
0x6b: {  	s26 =	rddreg [dreg:$0x7]  }
0x6c: {  	[tilespmem:s29], [sflag:$0xD] =	stream.linear.gather [hbm4b:s26+s16], $0x200, $0x38;
	[tilespmem:$0x18400] =	vst v63  }
0x6d: {  	_ =	swait.ge [sflag:s30], $0x200  }
0x6e: {  	[sflag:s30] =	ssyncset.done $0x0  }
0x6f: {  	[sflag:s30] =	ssyncadd.s32 $0xFFFFFE00  }
0x70: {  	_ =	swait.ge [sflag:s30], $0x200  }
0x71: {  	[sflag:s30] =	ssyncset.done $0x0  }
0x72: {  	[sflag:s30] =	ssyncadd.s32 $0xFFFFFE00  }
0x73: {  	[tilespmem:s6], [sflag:$0x1] =	stream.indirect.gather [hbm4b:s2+s21], $0x80, s16, s21, $0xb8;
	[tilespmem:$0x18400] =	vst v63  }
0x74: {  	_ = 	snop  }
0x75: {  	[tilespmem:s7], [sflag:$0x4] =	stream.indirect.gather [hbm4b:s3+s21], $0x80, s29, s21, $0xb8;
	[tilespmem:$0x18400] =	vst v63  }
0x76: {  	_ = 	snop  }
0x77: {  	[tilespmem:s20], [sflag:$0x2] =	stream.indirect.gather [hbm4b:s2+s21], $0x80, s21, s21, $0xb8;
	[tilespmem:$0x18400] =	vst v63  }
0x78: {  	s0 =	rddreg [dreg:$0xf]  }
0x79: {  	[tilespmem:s19], [sflag:$0x5] =	stream.indirect.gather [hbm4b:s3+s21], $0x80, s0, s21, $0xb8;
	[tilespmem:$0x18400] =	vst v63  }
0x7a: {  	s26 =	rddreg [dreg:$0x10]  }
0x7b: {  	[tilespmem:s18], [sflag:$0x3] =	stream.indirect.gather [hbm4b:s2+s21], $0x80, s26, s21, $0xb8;
	[tilespmem:$0x18400] =	vst v63  }
0x7c: {  	s26 =	simm.s32 $0x300  }
0x7d: {  	[tilespmem:s14], [sflag:$0x6] =	stream.indirect.gather [hbm4b:s3+s21], $0x80, s26, s21, $0xb8;
	[tilespmem:$0x18400] =	vst v63  }
0x7e: {  	_ =	swait.ge [sflag:s11], $0x4000  }
0x7f: {  	[sflag:s11] =	ssyncset.done $0x0  }
0x80: {  	[sflag:s11] =	ssyncadd.s32 $0xFFFFC000  }
0x81: {  	[hbm4b:s13+s6] =	stream.strided.scatter [tilespmem:s6], [sflag:$0x7], $0x4000, s8, s6, $0x38;
	[tilespmem:$0x18400] =	vst v63  }
0x82: {  	_ =	swait.ge [sflag:s9], $0x4000  }
0x83: {  	[sflag:s9] =	ssyncset.done $0x0  }
0x84: {  	s26 =	rddreg [dreg:$0x8];
	[sflag:s9] =	ssyncadd.s32 $0xFFFFC000  }
0x85: {  	[hbm4b:s26+s6] =	stream.strided.scatter [tilespmem:s7], [sflag:$0xA], $0x4000, s8, s6, $0x38;
	[tilespmem:$0x18400] =	vst v63  }
0x86: {  	_ =	swait.ge [sflag:s5], $0x4000  }
0x87: {  	[sflag:s5] =	ssyncset.done $0x0  }
0x88: {  	[sflag:s5] =	ssyncadd.s32 $0xFFFFC000  }
0x89: {  	_ =	swait.ge [sflag:s4], $0x4000  }
0x8a: {  	[sflag:s4] =	ssyncset.done $0x0  }
0x8b: {  	[sflag:s4] =	ssyncadd.s32 $0xFFFFC000  }
0x8c: {  	[tilespmem:s6], [sflag:$0x1] =	stream.indirect.gather [hbm4b:s2+s21], $0x80, s28, s21, $0xb8;
	[tilespmem:$0x18400] =	vst v63  }
0x8d: {  	_ = 	snop  }
0x8e: {  	[tilespmem:s7], [sflag:$0x4] =	stream.indirect.gather [hbm4b:s3+s21], $0x80, s31, s21, $0xb8;
	[tilespmem:$0x18400] =	vst v63  }
0x8f: {  	_ =	swait.ge [sflag:s25], $0x4000  }
0x90: {  	[sflag:s25] =	ssyncset.done $0x0  }
0x91: {  	s26 =	rddreg [dreg:$0x9];
	[sflag:s25] =	ssyncadd.s32 $0xFFFFC000  }
0x92: {  	[hbm4b:s26+s6] =	stream.strided.scatter [tilespmem:s20], [sflag:$0x8], $0x4000, s8, s6, $0x38;
	[tilespmem:$0x18400] =	vst v63  }
0x93: {  	_ =	swait.ge [sflag:s24], $0x4000  }
0x94: {  	[sflag:s24] =	ssyncset.done $0x0  }
0x95: {  	s26 =	rddreg [dreg:$0xa];
	[sflag:s24] =	ssyncadd.s32 $0xFFFFC000  }
0x96: {  	[hbm4b:s26+s6] =	stream.strided.scatter [tilespmem:s19], [sflag:$0xB], $0x4000, s8, s6, $0x38;
	[tilespmem:$0x18400] =	vst v63  }
0x97: {  	_ =	swait.ge [sflag:s23], $0x4000  }
0x98: {  	[sflag:s23] =	ssyncset.done $0x0  }
0x99: {  	s26 =	rddreg [dreg:$0xb];
	[sflag:s23] =	ssyncadd.s32 $0xFFFFC000  }
0x9a: {  	[hbm4b:s26+s6] =	stream.strided.scatter [tilespmem:s18], [sflag:$0x9], $0x4000, s8, s6, $0x38;
	[tilespmem:$0x18400] =	vst v63  }
0x9b: {  	_ =	swait.ge [sflag:s22], $0x4000  }
0x9c: {  	[sflag:s22] =	ssyncset.done $0x0  }
0x9d: {  	s26 =	rddreg [dreg:$0xc];
	[sflag:s22] =	ssyncadd.s32 $0xFFFFC000  }
0x9e: {  	[hbm4b:s26+s6] =	stream.strided.scatter [tilespmem:s14], [sflag:$0xC], $0x4000, s8, s6, $0x38;
	[tilespmem:$0x18400] =	vst v63  }
0x9f: {  	_ =	swait.ge [sflag:s11], $0x4000  }
0xa0: {  	[sflag:s11] =	ssyncset.done $0x0  }
0xa1: {  	s26 =	rddreg [dreg:$0xd];
	[sflag:s11] =	ssyncadd.s32 $0xFFFFC000  }
0xa2: {  	[hbm4b:s26+s6] =	stream.strided.scatter [tilespmem:s6], [sflag:$0x7], $0x4000, s8, s6, $0x38;
	[tilespmem:$0x18400] =	vst v63  }
0xa3: {  	_ =	swait.ge [sflag:s9], $0x4000  }
0xa4: {  	[sflag:s9] =	ssyncset.done $0x0  }
0xa5: {  	s26 =	rddreg [dreg:$0xe];
	[sflag:s9] =	ssyncadd.s32 $0xFFFFC000  }
0xa6: {  	[hbm4b:s26+s6] =	stream.strided.scatter [tilespmem:s7], [sflag:$0xA], $0x4000, s8, s6, $0x38;
	[tilespmem:$0x18400] =	vst v63  }
0xa7: {  	_ =	swait.ge [sflag:s17], $0x4000  }
0xa8: {  	[sflag:s17] =	ssyncset.done $0x0  }
0xa9: {  	[sflag:s17] =	ssyncadd.s32 $0xFFFFC000  }
0xaa: {  	_ =	swait.ge [sflag:s15], $0x4000  }
0xab: {  	[sflag:s15] =	ssyncset.done $0x0  }
0xac: {  	[sflag:s15] =	ssyncadd.s32 $0xFFFFC000  }
0xad: {  	_ =	swait.ge [sflag:s12], $0x4000  }
0xae: {  	[sflag:s12] =	ssyncset.done $0x0  }
0xaf: {  	[sflag:s12] =	ssyncadd.s32 $0xFFFFC000  }
0xb0: {  	_ =	swait.ge [sflag:s10], $0x4000  }
0xb1: {  	[sflag:s10] =	ssyncset.done $0x0  }
0xb2: {  	p1 =	sne.s32 s1, $0x1;
	[sflag:s10] =	ssyncadd.s32 $0xFFFFC000  }
.Ltmp2:
0xb3: {  	_ =	swait.ge [sflag:s5], $0x4000;
	(pc) =	sbr.rel @p1 .LBB2_4-.Ltmp2, $4  }
0xb4: {  	[sflag:s5] =	ssyncset.done $0x0  }
0xb5: {  	[sflag:s5] =	ssyncadd.s32 $0xFFFFC000  }
0xb6: {  	_ =	swait.ge [sflag:s4], $0x4000  }
0xb7: {  	s1 =	sadd.s32 $0xFFFFFFFF, s1;
	s0 =	rddreg [dreg:$0x6];
	[sflag:s4] =	ssyncset.done $0x0  }
0xb8: {  	s26 =	simm.s32 $0x300;
	s31 =	simm.s32 $0x380;
	s28 =	simm.s32 $0x180  }
.LBB2_6:
0xb9: {  	[sflag:s4] =	ssyncadd.s32 @p0 $0xFFFFC000  }
0xba: {  	[tilespmem:s16], [sflag:$0xD] =	stream.linear.gather [hbm4b:s0+s16], $0x200, $0x38;
	[tilespmem:$0x18400] =	vst v63  }
0xbb: {  	s1 =	rddreg [dreg:$0x7]  }
0xbc: {  	[tilespmem:s29], [sflag:$0xD] =	stream.linear.gather [hbm4b:s1+s16], $0x200, $0x38;
	[tilespmem:$0x18400] =	vst v63  }
0xbd: {  	_ =	swait.ge [sflag:s30], $0x200  }
0xbe: {  	[sflag:s30] =	ssyncset.done $0x0  }
0xbf: {  	[sflag:s30] =	ssyncadd.s32 $0xFFFFFE00  }
0xc0: {  	_ =	swait.ge [sflag:s30], $0x200  }
0xc1: {  	[sflag:s30] =	ssyncset.done $0x0  }
0xc2: {  	[sflag:s30] =	ssyncadd.s32 $0xFFFFFE00  }
0xc3: {  	[tilespmem:s6], [sflag:$0x1] =	stream.indirect.gather [hbm4b:s2+s21], $0x80, s16, s21, $0xb8;
	[tilespmem:$0x18400] =	vst v63  }
0xc4: {  	_ = 	snop  }
0xc5: {  	[tilespmem:s7], [sflag:$0x4] =	stream.indirect.gather [hbm4b:s3+s21], $0x80, s29, s21, $0xb8;
	[tilespmem:$0x18400] =	vst v63  }
0xc6: {  	_ = 	snop  }
0xc7: {  	[tilespmem:s20], [sflag:$0x2] =	stream.indirect.gather [hbm4b:s2+s21], $0x80, s21, s21, $0xb8;
	[tilespmem:$0x18400] =	vst v63  }
0xc8: {  	s29 =	rddreg [dreg:$0xf]  }
0xc9: {  	[tilespmem:s19], [sflag:$0x5] =	stream.indirect.gather [hbm4b:s3+s21], $0x80, s29, s21, $0xb8;
	[tilespmem:$0x18400] =	vst v63  }
0xca: {  	s30 =	rddreg [dreg:$0x10]  }
0xcb: {  	[tilespmem:s18], [sflag:$0x3] =	stream.indirect.gather [hbm4b:s2+s21], $0x80, s30, s21, $0xb8;
	[tilespmem:$0x18400] =	vst v63  }
0xcc: {  	_ = 	snop  }
0xcd: {  	[tilespmem:s14], [sflag:$0x6] =	stream.indirect.gather [hbm4b:s3+s21], $0x80, s26, s21, $0xb8;
	[tilespmem:$0x18400] =	vst v63  }
0xce: {  	_ =	swait.ge [sflag:s11], $0x4000  }
0xcf: {  	[sflag:s11] =	ssyncset.done $0x0  }
0xd0: {  	[sflag:s11] =	ssyncadd.s32 $0xFFFFC000  }
0xd1: {  	[hbm4b:s13+s6] =	stream.strided.scatter [tilespmem:s6], [sflag:$0x7], $0x4000, s8, s6, $0x38;
	[tilespmem:$0x18400] =	vst v63  }
0xd2: {  	_ =	swait.ge [sflag:s9], $0x4000  }
0xd3: {  	[sflag:s9] =	ssyncset.done $0x0  }
0xd4: {  	s16 =	rddreg [dreg:$0x8];
	[sflag:s9] =	ssyncadd.s32 $0xFFFFC000  }
0xd5: {  	[hbm4b:s16+s6] =	stream.strided.scatter [tilespmem:s7], [sflag:$0xA], $0x4000, s8, s6, $0x38;
	[tilespmem:$0x18400] =	vst v63  }
0xd6: {  	_ =	swait.ge [sflag:s5], $0x4000  }
0xd7: {  	[sflag:s5] =	ssyncset.done $0x0  }
0xd8: {  	[sflag:s5] =	ssyncadd.s32 $0xFFFFC000  }
0xd9: {  	_ =	swait.ge [sflag:s4], $0x4000  }
0xda: {  	[sflag:s4] =	ssyncset.done $0x0  }
0xdb: {  	[sflag:s4] =	ssyncadd.s32 $0xFFFFC000  }
0xdc: {  	[tilespmem:s6], [sflag:$0x1] =	stream.indirect.gather [hbm4b:s2+s21], $0x80, s28, s21, $0xb8;
	[tilespmem:$0x18400] =	vst v63  }
0xdd: {  	_ = 	snop  }
0xde: {  	[tilespmem:s7], [sflag:$0x4] =	stream.indirect.gather [hbm4b:s3+s21], $0x80, s31, s21, $0xb8;
	[tilespmem:$0x18400] =	vst v63  }
0xdf: {  	_ =	swait.ge [sflag:s25], $0x4000  }
0xe0: {  	[sflag:s25] =	ssyncset.done $0x0  }
0xe1: {  	s21 =	rddreg [dreg:$0x9];
	[sflag:s25] =	ssyncadd.s32 $0xFFFFC000  }
0xe2: {  	[hbm4b:s21+s6] =	stream.strided.scatter [tilespmem:s20], [sflag:$0x8], $0x4000, s8, s6, $0x38;
	[tilespmem:$0x18400] =	vst v63  }
0xe3: {  	_ =	swait.ge [sflag:s24], $0x4000  }
0xe4: {  	[sflag:s24] =	ssyncset.done $0x0  }
0xe5: {  	s25 =	rddreg [dreg:$0xa];
	[sflag:s24] =	ssyncadd.s32 $0xFFFFC000  }
0xe6: {  	[hbm4b:s25+s6] =	stream.strided.scatter [tilespmem:s19], [sflag:$0xB], $0x4000, s8, s6, $0x38;
	[tilespmem:$0x18400] =	vst v63  }
0xe7: {  	_ =	swait.ge [sflag:s23], $0x4000  }
0xe8: {  	[sflag:s23] =	ssyncset.done $0x0  }
0xe9: {  	s26 =	rddreg [dreg:$0xb];
	[sflag:s23] =	ssyncadd.s32 $0xFFFFC000  }
0xea: {  	[hbm4b:s26+s6] =	stream.strided.scatter [tilespmem:s18], [sflag:$0x9], $0x4000, s8, s6, $0x38;
	[tilespmem:$0x18400] =	vst v63  }
0xeb: {  	_ =	swait.ge [sflag:s22], $0x4000  }
0xec: {  	[sflag:s22] =	ssyncset.done $0x0  }
0xed: {  	s28 =	rddreg [dreg:$0xc];
	[sflag:s22] =	ssyncadd.s32 $0xFFFFC000  }
0xee: {  	[hbm4b:s28+s6] =	stream.strided.scatter [tilespmem:s14], [sflag:$0xC], $0x4000, s8, s6, $0x38;
	[tilespmem:$0x18400] =	vst v63  }
0xef: {  	_ =	swait.ge [sflag:s11], $0x4000  }
0xf0: {  	[sflag:s11] =	ssyncset.done $0x0  }
0xf1: {  	s29 =	rddreg [dreg:$0xd];
	[sflag:s11] =	ssyncadd.s32 $0xFFFFC000  }
0xf2: {  	[hbm4b:s29+s6] =	stream.strided.scatter [tilespmem:s6], [sflag:$0x7], $0x4000, s8, s6, $0x38;
	[tilespmem:$0x18400] =	vst v63  }
0xf3: {  	_ =	swait.ge [sflag:s9], $0x4000  }
0xf4: {  	[sflag:s9] =	ssyncset.done $0x0  }
0xf5: {  	s30 =	rddreg [dreg:$0xe];
	[sflag:s9] =	ssyncadd.s32 $0xFFFFC000  }
0xf6: {  	[hbm4b:s30+s6] =	stream.strided.scatter [tilespmem:s7], [sflag:$0xA], $0x4000, s8, s6, $0x38;
	[tilespmem:$0x18400] =	vst v63  }
0xf7: {  	_ =	swait.ge [sflag:s17], $0x4000  }
0xf8: {  	[sflag:s17] =	ssyncset.done $0x0  }
0xf9: {  	[sflag:s17] =	ssyncadd.s32 $0xFFFFC000  }
0xfa: {  	_ =	swait.ge [sflag:s15], $0x4000  }
0xfb: {  	[sflag:s15] =	ssyncset.done $0x0  }
0xfc: {  	[sflag:s15] =	ssyncadd.s32 $0xFFFFC000  }
0xfd: {  	_ =	swait.ge [sflag:s12], $0x4000  }
0xfe: {  	[sflag:s12] =	ssyncset.done $0x0  }
0xff: {  	[sflag:s12] =	ssyncadd.s32 $0xFFFFC000  }
0x100: {  	_ =	swait.ge [sflag:s10], $0x4000  }
0x101: {  	[sflag:s10] =	ssyncset.done $0x0  }
0x102: {  	[sflag:s10] =	ssyncadd.s32 $0xFFFFC000  }
0x103: {  	_ =	swait.ge [sflag:s5], $0x4000  }
0x104: {  	[sflag:s5] =	ssyncset.done $0x0  }
0x105: {  	[sflag:s5] =	ssyncadd.s32 $0xFFFFC000  }
0x106: {  	_ =	swait.ge [sflag:s4], $0x4000  }
0x107: {  	[sflag:s4] =	ssyncset.done $0x0  }
0x108: {  	[sflag:s4] =	ssyncadd.s32 $0xFFFFC000  }
0x109: {  	_ =	sfence.sel $0x180000  }
0x10a: {  	[bflag:$0x0] =	sbarrier.arrive $0xFFFF  }
0x10b: {  	_ =	strace $0x90000047  }
0x10c: {  	s31 =	stileid.u32;
	[bflag:$0x2] =	sbarrier.arrive $0xFFFF  }
0x10d: {  	p0 =	sne.s32 s31, $0x0;
	s0 =	rddreg [dreg:$0x5]  }
0x10e: {  	s0 =	sadd.s32 @!p0 $0x100000, s0  }
0x10f: {  	[sflag:s0] =	ssyncadd.tile.s32 @!p0 $0x1;
	_ =	shalt  }
.LBB2_1:
.Ltmp3:
0x110: {  	(pc) =	sbr.rel .LBB2_6-.Ltmp3, $2  }
0x111: {  	_ =	sdelay $0x2  }
0x112: {  	s26 =	simm.s32 $0x300;
	s31 =	simm.s32 $0x380;
	s28 =	simm.s32 $0x180  }
.LBB2_3:
.Ltmp4:
0x113: {  	(pc) =	sbr.rel .LBB2_6-.Ltmp4, $2  }
0x114: {  	_ =	sdelay $0x2  }
0x115: {  	s26 =	simm.s32 $0x300;
	s31 =	simm.s32 $0x380;
	s28 =	simm.s32 $0x180  }
.Lfunc_end2:
_tile_overlayer_lowered:
.L_overlay_start_2:
0x116: {  	(tag) =	ssettag $0x2  }
0x117: {  	s0 =	rddreg [dreg:$0x0];
	s2 =	stileid.u32  }
0x118: {  	s1 =	rddreg [dreg:$0x1];
	p0 =	sne.s32 s2, $0x0  }
0x119: {  	s3 =	rddreg [dreg:$0x2];
	[bflag:$0x3] =	sbarrier.arrive $0xFFFF;
	s2 =	simm.s32 @!p0 $0x1C0E  }
0x11a: {  	[timem:s3], [sflag:s2] =	dma.local @!p0 [hbm:s0], s1  }
0x11b: {  	s0 =	simm.s32 @!p0 $0xE  }
0x11c: {  	_ =	swait.ge @!p0 [sflag:s0], s1  }
0x11d: {  	s1 =	ssub.s32 @!p0 $0x0, s1;
	[sflag:s0] =	ssyncset.done @!p0 $0x0  }
0x11e: {  	[sflag:s0] =	ssyncadd.s32 @!p0 s1  }
0x11f: {  	[bflag:$0x3] =	sbarrier.arrive $0xFFFF  }
0x120: {  	_ =	shalt  }

</sc_bundles>
